<compile_context>
chip_gen: v7x
topology: tpu7x:2x2x1
jax: 0.10.2.dev20260603
libtpu: 0.0.44.dev20260713+nightly
codegen_flags: <defaults>
</compile_context>

<pallas_src>
import functools

import jax
import jax.numpy as jnp
from jax import lax
from jax.experimental import pallas as pl
from jax.experimental.pallas import tpu as pltpu
from jax.experimental.pallas import tpu_sc as plsc

_NUM_ROWS = 100000
_D = 128
_B = 4096
_NC = 2
_NS = 16
_L = 16
_NW = _NC * _NS
_BPW = _B // _NW

_mesh = plsc.VectorSubcoreMesh(core_axis_name="c", subcore_axis_name="s")


@functools.partial(
    pl.kernel,
    mesh=_mesh,
    out_type=jax.ShapeDtypeStruct((_B, _D), jnp.float32),
    scratch_types=[
        pltpu.VMEM((_BPW,), jnp.int32),
        pltpu.VMEM((_BPW, _D), jnp.float32),
        pltpu.VMEM((_BPW, _D), jnp.float32),
        pltpu.SemaphoreType.DMA,
        pltpu.SemaphoreType.DMA,
        pltpu.SemaphoreType.DMA,
        pltpu.SemaphoreType.DMA,
    ],
)
def _ef_gather_combine(x_hbm, idx_hbm, state_hbm, out_hbm,
                       idx_v, g_v, x_v, sem_g0, sem_g1, sem_x, sem_o):
    wid = lax.axis_index("s") * _NC + lax.axis_index("c")
    base = wid * _BPW
    half = _BPW // 2
    xcp = pltpu.async_copy(x_hbm.at[pl.ds(base, _BPW)], x_v, sem_x)
    pltpu.sync_copy(idx_hbm.at[pl.ds(base, _BPW)], idx_v)
    gats = [
        pltpu.async_copy(state_hbm.at[idx_v.at[pl.ds(0, half)]],
                         g_v.at[pl.ds(0, half)], sem_g0),
        pltpu.async_copy(state_hbm.at[idx_v.at[pl.ds(half, half)]],
                         g_v.at[pl.ds(half, half)], sem_g1),
    ]
    xcp.wait()
    outs = []
    for h in range(2):
        gats[h].wait()

        @plsc.parallel_loop(h * half, (h + 1) * half)
        def _row(r):
            for c in range(_D // _L):
                sl = pl.ds(c * _L, _L)
                g = g_v[r, sl]
                g_v[r, sl] = g + (x_v[r, sl] - g)

        outs.append(pltpu.async_copy(
            g_v.at[pl.ds(h * half, half)],
            out_hbm.at[pl.ds(base + h * half, half)], sem_o))
    for o in outs:
        o.wait()


def kernel(x, indices, epoch, state):
    del epoch
    return _ef_gather_combine(x, indices, state)

# --- scband reference (transcript-rebuilt; emitter-appended) ---
"""Pipeline reference for scband-efcompressor-43336220017300 (READ-ONLY COPY).

The authoritative reference and input builder live on the scoring server;
editing this copy changes nothing except your own understanding.
"""

import jax, jax.numpy as jnp
import numpy as np

NUM_SAMPLES = 100000
CUT_DIM = 128
BATCH = 4096

def setup_inputs(seed: int = 0) -> dict:
    key = jax.random.key(seed)
    kx, = jax.random.split(key, 1)
    x = jax.random.normal(kx, (BATCH, CUT_DIM), dtype=jnp.float32)
    # arange indices: unique, in-range (< num_samples), matches torch harness fill
    indices = jnp.arange(BATCH, dtype=jnp.int32)
    # persistent EF state buffer, initialized to zeros as in the torch module
    state = jnp.zeros((NUM_SAMPLES, CUT_DIM), dtype=jnp.float32)
    epoch = 1  # exercise the error-feedback branch
    return {"x": x, "indices": indices, "epoch": epoch, "state": state}

def reference(x, indices, epoch, state):
    # compressor is nn.Identity()
    gathered = jnp.take(state, indices, axis=0)           # gather state[indices]
    v = jnp.where(epoch == 0, x, gathered + (x - gathered))
    updated = state.at[indices].set(v)                    # scatter-overwrite
    return jnp.take(updated, indices, axis=0)             # gather updated[indices]

if __name__ == "__main__":
    import jax
    _d = setup_inputs()
    print(jax.jit(kernel)(*tuple(_d.values())))

</pallas_src>

<mosaic_0001>
#map = affine_map<(d0, d1) -> (0, 0)>
#map1 = affine_map<(d0, d1) -> (0)>
module attributes {stable_mosaic.version = 14 : i64} {
  func.func @_ef_gather_combine(%arg0: i32, %arg1: i32, %arg2: memref<4096x128xf32, #tpu.memory_space<hbm>>, %arg3: memref<4096xi32, #tpu.memory_space<hbm>>, %arg4: memref<100000x128xf32, #tpu.memory_space<hbm>>, %arg5: memref<4096x128xf32, #tpu.memory_space<hbm>>, %arg6: memref<128xi32, #tpu.memory_space<vmem>>, %arg7: memref<128x128xf32, #tpu.memory_space<vmem>>, %arg8: memref<128x128xf32, #tpu.memory_space<vmem>>, %arg9: memref<!tpu.dma_semaphore, #tpu.memory_space<semaphore_mem>>, %arg10: memref<!tpu.dma_semaphore, #tpu.memory_space<semaphore_mem>>, %arg11: memref<!tpu.dma_semaphore, #tpu.memory_space<semaphore_mem>>, %arg12: memref<!tpu.dma_semaphore, #tpu.memory_space<semaphore_mem>>) attributes {dimension_semantics = [#tpu.dimension_semantics<core_parallel>, #tpu.dimension_semantics<subcore_parallel>], iteration_bounds = array<i64: 2, 16>, scalar_prefetch = 0 : i64, scratch_operands = 7 : i64, tpu.core_type = #tpu.core_type<sc_vector_subcore>, window_params = [{transform_indices = #map}, {transform_indices = #map1}, {transform_indices = #map}, {transform_indices = #map}]} {
    %mul3A = arith.constant 2 : i32
    %mul3A_0 = arith.muli %arg1, %mul3A : i32
    %add3A = arith.addi %mul3A_0, %arg0 : i32
    %mul3A_1 = arith.constant 128 : i32
    %mul3A_2 = arith.muli %add3A, %mul3A_1 : i32
    %dma_start3A = arith.constant 0 : i32
    %dma_start3A_3 = tpu.memref_slice %arg2[%mul3A_2, %dma_start3A] : memref<4096x128xf32, #tpu.memory_space<hbm>> -> memref<128x128xf32, #tpu.memory_space<hbm>>
    %dma_start3A_4 = arith.constant 0 : i32
    %dma_start3A_5 = tpu.memref_slice %arg2[%mul3A_2, %dma_start3A_4] : memref<4096x128xf32, #tpu.memory_space<hbm>> -> memref<128x128xf32, #tpu.memory_space<hbm>>
    tpu.enqueue_dma source(%dma_start3A_5 : memref<128x128xf32, #tpu.memory_space<hbm>>) target(%arg8 : memref<128x128xf32, #tpu.memory_space<vmem>>) target_semaphore(%arg11 : memref<!tpu.dma_semaphore, #tpu.memory_space<semaphore_mem>>)
    "tpu.region"() ({
      %run_scoped3A = tpu.sem_alloc : memref<!tpu.dma_semaphore, #tpu.memory_space<semaphore_mem>>
      %dma_start3A_90 = tpu.memref_slice %arg3[%mul3A_2] : memref<4096xi32, #tpu.memory_space<hbm>> -> memref<128xi32, #tpu.memory_space<hbm>>
      %dma_start3A_91 = tpu.memref_slice %arg3[%mul3A_2] : memref<4096xi32, #tpu.memory_space<hbm>> -> memref<128xi32, #tpu.memory_space<hbm>>
      tpu.enqueue_dma source(%dma_start3A_91 : memref<128xi32, #tpu.memory_space<hbm>>) target(%arg6 : memref<128xi32, #tpu.memory_space<vmem>>) target_semaphore(%run_scoped3A : memref<!tpu.dma_semaphore, #tpu.memory_space<semaphore_mem>>)
      %dma_wait3A_92 = tpu.memref_slice %arg3[%mul3A_2] : memref<4096xi32, #tpu.memory_space<hbm>> -> memref<128xi32, #tpu.memory_space<hbm>>
      %dma_wait3A_93 = tpu.memref_slice %arg3[%mul3A_2] : memref<4096xi32, #tpu.memory_space<hbm>> -> memref<128xi32, #tpu.memory_space<hbm>>
      tpu.wait_dma2 semaphore(%run_scoped3A : memref<!tpu.dma_semaphore, #tpu.memory_space<semaphore_mem>>) src(%dma_wait3A_93 : memref<128xi32, #tpu.memory_space<hbm>>) dst(%arg6 : memref<128xi32, #tpu.memory_space<vmem>>)
      tpu.yield
    }) : () -> ()
    %dma_start3A_6 = arith.constant 0 : i32
    %dma_start3A_7 = arith.constant 0 : i32
    %dma_start3A_8 = tpu.memref_slice %arg7[%dma_start3A_6, %dma_start3A_7] : memref<128x128xf32, #tpu.memory_space<vmem>> -> memref<64x128xf32, #tpu.memory_space<vmem>>
    %dma_start3A_9 = arith.constant 0 : i32
    %dma_start3A_10 = tpu.memref_slice %arg6[%dma_start3A_9] : memref<128xi32, #tpu.memory_space<vmem>> -> memref<64xi32, #tpu.memory_space<vmem>>
    %dma_start3A_11 = arith.constant 0 : i32
    %dma_start3A_12 = arith.constant 0 : i32
    %dma_start3A_13 = tpu.memref_slice %arg4[%dma_start3A_11, %dma_start3A_12] : memref<100000x128xf32, #tpu.memory_space<hbm>> -> memref<100000x128xf32, #tpu.memory_space<hbm>>
    tpu.enqueue_indirect_dma source(%dma_start3A_13 : memref<100000x128xf32, #tpu.memory_space<hbm>>) target(%dma_start3A_8 : memref<64x128xf32, #tpu.memory_space<vmem>>) offsets(%dma_start3A_10 : memref<64xi32, #tpu.memory_space<vmem>>) semaphore(%arg9 : memref<!tpu.dma_semaphore, #tpu.memory_space<semaphore_mem>>)
    %dma_start3A_14 = arith.constant 64 : i32
    %dma_start3A_15 = arith.constant 0 : i32
    %dma_start3A_16 = tpu.memref_slice %arg7[%dma_start3A_14, %dma_start3A_15] : memref<128x128xf32, #tpu.memory_space<vmem>> -> memref<64x128xf32, #tpu.memory_space<vmem>>
    %dma_start3A_17 = arith.constant 64 : i32
    %dma_start3A_18 = tpu.memref_slice %arg6[%dma_start3A_17] : memref<128xi32, #tpu.memory_space<vmem>> -> memref<64xi32, #tpu.memory_space<vmem>>
    %dma_start3A_19 = arith.constant 0 : i32
    %dma_start3A_20 = arith.constant 0 : i32
    %dma_start3A_21 = tpu.memref_slice %arg4[%dma_start3A_19, %dma_start3A_20] : memref<100000x128xf32, #tpu.memory_space<hbm>> -> memref<100000x128xf32, #tpu.memory_space<hbm>>
    tpu.enqueue_indirect_dma source(%dma_start3A_21 : memref<100000x128xf32, #tpu.memory_space<hbm>>) target(%dma_start3A_16 : memref<64x128xf32, #tpu.memory_space<vmem>>) offsets(%dma_start3A_18 : memref<64xi32, #tpu.memory_space<vmem>>) semaphore(%arg10 : memref<!tpu.dma_semaphore, #tpu.memory_space<semaphore_mem>>)
    %dma_wait3A = arith.constant 0 : i32
    %dma_wait3A_22 = tpu.memref_slice %arg2[%mul3A_2, %dma_wait3A] : memref<4096x128xf32, #tpu.memory_space<hbm>> -> memref<128x128xf32, #tpu.memory_space<hbm>>
    %dma_wait3A_23 = arith.constant 0 : i32
    %dma_wait3A_24 = tpu.memref_slice %arg2[%mul3A_2, %dma_wait3A_23] : memref<4096x128xf32, #tpu.memory_space<hbm>> -> memref<128x128xf32, #tpu.memory_space<hbm>>
    tpu.wait_dma2 semaphore(%arg11 : memref<!tpu.dma_semaphore, #tpu.memory_space<semaphore_mem>>) src(%dma_wait3A_24 : memref<128x128xf32, #tpu.memory_space<hbm>>) dst(%arg8 : memref<128x128xf32, #tpu.memory_space<vmem>>)
    %dma_wait3A_25 = arith.constant 0 : i32
    %dma_wait3A_26 = arith.constant 0 : i32
    %dma_wait3A_27 = tpu.memref_slice %arg7[%dma_wait3A_25, %dma_wait3A_26] : memref<128x128xf32, #tpu.memory_space<vmem>> -> memref<64x128xf32, #tpu.memory_space<vmem>>
    %dma_wait3A_28 = arith.constant 0 : i32
    %dma_wait3A_29 = tpu.memref_slice %arg6[%dma_wait3A_28] : memref<128xi32, #tpu.memory_space<vmem>> -> memref<64xi32, #tpu.memory_space<vmem>>
    %dma_wait3A_30 = arith.constant 0 : i32
    %dma_wait3A_31 = arith.constant 0 : i32
    %dma_wait3A_32 = tpu.memref_slice %arg4[%dma_wait3A_30, %dma_wait3A_31] : memref<100000x128xf32, #tpu.memory_space<hbm>> -> memref<100000x128xf32, #tpu.memory_space<hbm>>
    tpu.wait_indirect_dma semaphore(%arg9 : memref<!tpu.dma_semaphore, #tpu.memory_space<semaphore_mem>>) src(%dma_wait3A_32 : memref<100000x128xf32, #tpu.memory_space<hbm>>) dst(%dma_wait3A_27 : memref<64x128xf32, #tpu.memory_space<vmem>>)
    %parallel_loop3A = arith.constant 0 : i32
    %parallel_loop3A_33 = arith.constant 64 : i32
    %parallel_loop3A_34 = arith.constant 1 : i32
    scf.for %parallel_loop3A_90 = %parallel_loop3A to %parallel_loop3A_33 step %parallel_loop3A_34  : i32 {
      %parallel_loop3A_91 = arith.index_cast %parallel_loop3A_90 : i32 to index
      %parallel_loop3A_92 = arith.constant 0 : index
      %parallel_loop3A_93 = tpu.vector_load %arg7[%parallel_loop3A_91, %parallel_loop3A_92] {strides = array<i32>} : memref<128x128xf32, #tpu.memory_space<vmem>>, vector<1x16xf32>,
      %parallel_loop3A_94 = vector.shape_cast %parallel_loop3A_93 : vector<1x16xf32> to vector<16xf32>
      %parallel_loop3A_95 = arith.index_cast %parallel_loop3A_90 : i32 to index
      %parallel_loop3A_96 = arith.constant 0 : index
      %parallel_loop3A_97 = tpu.vector_load %arg8[%parallel_loop3A_95, %parallel_loop3A_96] {strides = array<i32>} : memref<128x128xf32, #tpu.memory_space<vmem>>, vector<1x16xf32>,
      %parallel_loop3A_98 = vector.shape_cast %parallel_loop3A_97 : vector<1x16xf32> to vector<16xf32>
      %parallel_loop3A_99 = arith.subf %parallel_loop3A_98, %parallel_loop3A_94 : vector<16xf32>
      %parallel_loop3A_100 = arith.addf %parallel_loop3A_94, %parallel_loop3A_99 : vector<16xf32>
      %parallel_loop3A_101 = arith.index_cast %parallel_loop3A_90 : i32 to index
      %parallel_loop3A_102 = arith.constant 0 : index
      %parallel_loop3A_103 = tpu.vector_load %arg7[%parallel_loop3A_101, %parallel_loop3A_102] {strides = array<i32>} : memref<128x128xf32, #tpu.memory_space<vmem>>, vector<1x16xf32>,
      %parallel_loop3A_104 = vector.shape_cast %parallel_loop3A_103 : vector<1x16xf32> to vector<16xf32>
      %parallel_loop3A_105 = vector.shape_cast %parallel_loop3A_100 : vector<16xf32> to vector<1x16xf32>
      tpu.vector_store %arg7[%parallel_loop3A_101, %parallel_loop3A_102], %parallel_loop3A_105 {strides = array<i32>} : memref<128x128xf32, #tpu.memory_space<vmem>>, vector<1x16xf32>,
      %parallel_loop3A_106 = arith.index_cast %parallel_loop3A_90 : i32 to index
      %parallel_loop3A_107 = arith.constant 16 : index
      %parallel_loop3A_108 = tpu.vector_load %arg7[%parallel_loop3A_106, %parallel_loop3A_107] {strides = array<i32>} : memref<128x128xf32, #tpu.memory_space<vmem>>, vector<1x16xf32>,
      %parallel_loop3A_109 = vector.shape_cast %parallel_loop3A_108 : vector<1x16xf32> to vector<16xf32>
      %parallel_loop3A_110 = arith.index_cast %parallel_loop3A_90 : i32 to index
      %parallel_loop3A_111 = arith.constant 16 : index
      %parallel_loop3A_112 = tpu.vector_load %arg8[%parallel_loop3A_110, %parallel_loop3A_111] {strides = array<i32>} : memref<128x128xf32, #tpu.memory_space<vmem>>, vector<1x16xf32>,
      %parallel_loop3A_113 = vector.shape_cast %parallel_loop3A_112 : vector<1x16xf32> to vector<16xf32>
      %parallel_loop3A_114 = arith.subf %parallel_loop3A_113, %parallel_loop3A_109 : vector<16xf32>
      %parallel_loop3A_115 = arith.addf %parallel_loop3A_109, %parallel_loop3A_114 : vector<16xf32>
      %parallel_loop3A_116 = arith.index_cast %parallel_loop3A_90 : i32 to index
      %parallel_loop3A_117 = arith.constant 16 : index
      %parallel_loop3A_118 = tpu.vector_load %arg7[%parallel_loop3A_116, %parallel_loop3A_117] {strides = array<i32>} : memref<128x128xf32, #tpu.memory_space<vmem>>, vector<1x16xf32>,
      %parallel_loop3A_119 = vector.shape_cast %parallel_loop3A_118 : vector<1x16xf32> to vector<16xf32>
      %parallel_loop3A_120 = vector.shape_cast %parallel_loop3A_115 : vector<16xf32> to vector<1x16xf32>
      tpu.vector_store %arg7[%parallel_loop3A_116, %parallel_loop3A_117], %parallel_loop3A_120 {strides = array<i32>} : memref<128x128xf32, #tpu.memory_space<vmem>>, vector<1x16xf32>,
      %parallel_loop3A_121 = arith.index_cast %parallel_loop3A_90 : i32 to index
      %parallel_loop3A_122 = arith.constant 32 : index
      %parallel_loop3A_123 = tpu.vector_load %arg7[%parallel_loop3A_121, %parallel_loop3A_122] {strides = array<i32>} : memref<128x128xf32, #tpu.memory_space<vmem>>, vector<1x16xf32>,
      %parallel_loop3A_124 = vector.shape_cast %parallel_loop3A_123 : vector<1x16xf32> to vector<16xf32>
      %parallel_loop3A_125 = arith.index_cast %parallel_loop3A_90 : i32 to index
      %parallel_loop3A_126 = arith.constant 32 : index
      %parallel_loop3A_127 = tpu.vector_load %arg8[%parallel_loop3A_125, %parallel_loop3A_126] {strides = array<i32>} : memref<128x128xf32, #tpu.memory_space<vmem>>, vector<1x16xf32>,
      %parallel_loop3A_128 = vector.shape_cast %parallel_loop3A_127 : vector<1x16xf32> to vector<16xf32>
      %parallel_loop3A_129 = arith.subf %parallel_loop3A_128, %parallel_loop3A_124 : vector<16xf32>
      %parallel_loop3A_130 = arith.addf %parallel_loop3A_124, %parallel_loop3A_129 : vector<16xf32>
      %parallel_loop3A_131 = arith.index_cast %parallel_loop3A_90 : i32 to index
      %parallel_loop3A_132 = arith.constant 32 : index
      %parallel_loop3A_133 = tpu.vector_load %arg7[%parallel_loop3A_131, %parallel_loop3A_132] {strides = array<i32>} : memref<128x128xf32, #tpu.memory_space<vmem>>, vector<1x16xf32>,
      %parallel_loop3A_134 = vector.shape_cast %parallel_loop3A_133 : vector<1x16xf32> to vector<16xf32>
      %parallel_loop3A_135 = vector.shape_cast %parallel_loop3A_130 : vector<16xf32> to vector<1x16xf32>
      tpu.vector_store %arg7[%parallel_loop3A_131, %parallel_loop3A_132], %parallel_loop3A_135 {strides = array<i32>} : memref<128x128xf32, #tpu.memory_space<vmem>>, vector<1x16xf32>,
      %parallel_loop3A_136 = arith.index_cast %parallel_loop3A_90 : i32 to index
      %parallel_loop3A_137 = arith.constant 48 : index
      %parallel_loop3A_138 = tpu.vector_load %arg7[%parallel_loop3A_136, %parallel_loop3A_137] {strides = array<i32>} : memref<128x128xf32, #tpu.memory_space<vmem>>, vector<1x16xf32>,
      %parallel_loop3A_139 = vector.shape_cast %parallel_loop3A_138 : vector<1x16xf32> to vector<16xf32>
      %parallel_loop3A_140 = arith.index_cast %parallel_loop3A_90 : i32 to index
      %parallel_loop3A_141 = arith.constant 48 : index
      %parallel_loop3A_142 = tpu.vector_load %arg8[%parallel_loop3A_140, %parallel_loop3A_141] {strides = array<i32>} : memref<128x128xf32, #tpu.memory_space<vmem>>, vector<1x16xf32>,
      %parallel_loop3A_143 = vector.shape_cast %parallel_loop3A_142 : vector<1x16xf32> to vector<16xf32>
      %parallel_loop3A_144 = arith.subf %parallel_loop3A_143, %parallel_loop3A_139 : vector<16xf32>
      %parallel_loop3A_145 = arith.addf %parallel_loop3A_139, %parallel_loop3A_144 : vector<16xf32>
      %parallel_loop3A_146 = arith.index_cast %parallel_loop3A_90 : i32 to index
      %parallel_loop3A_147 = arith.constant 48 : index
      %parallel_loop3A_148 = tpu.vector_load %arg7[%parallel_loop3A_146, %parallel_loop3A_147] {strides = array<i32>} : memref<128x128xf32, #tpu.memory_space<vmem>>, vector<1x16xf32>,
      %parallel_loop3A_149 = vector.shape_cast %parallel_loop3A_148 : vector<1x16xf32> to vector<16xf32>
      %parallel_loop3A_150 = vector.shape_cast %parallel_loop3A_145 : vector<16xf32> to vector<1x16xf32>
      tpu.vector_store %arg7[%parallel_loop3A_146, %parallel_loop3A_147], %parallel_loop3A_150 {strides = array<i32>} : memref<128x128xf32, #tpu.memory_space<vmem>>, vector<1x16xf32>,
      %parallel_loop3A_151 = arith.index_cast %parallel_loop3A_90 : i32 to index
      %parallel_loop3A_152 = arith.constant 64 : index
      %parallel_loop3A_153 = tpu.vector_load %arg7[%parallel_loop3A_151, %parallel_loop3A_152] {strides = array<i32>} : memref<128x128xf32, #tpu.memory_space<vmem>>, vector<1x16xf32>,
      %parallel_loop3A_154 = vector.shape_cast %parallel_loop3A_153 : vector<1x16xf32> to vector<16xf32>
      %parallel_loop3A_155 = arith.index_cast %parallel_loop3A_90 : i32 to index
      %parallel_loop3A_156 = arith.constant 64 : index
      %parallel_loop3A_157 = tpu.vector_load %arg8[%parallel_loop3A_155, %parallel_loop3A_156] {strides = array<i32>} : memref<128x128xf32, #tpu.memory_space<vmem>>, vector<1x16xf32>,
      %parallel_loop3A_158 = vector.shape_cast %parallel_loop3A_157 : vector<1x16xf32> to vector<16xf32>
      %parallel_loop3A_159 = arith.subf %parallel_loop3A_158, %parallel_loop3A_154 : vector<16xf32>
      %parallel_loop3A_160 = arith.addf %parallel_loop3A_154, %parallel_loop3A_159 : vector<16xf32>
      %parallel_loop3A_161 = arith.index_cast %parallel_loop3A_90 : i32 to index
      %parallel_loop3A_162 = arith.constant 64 : index
      %parallel_loop3A_163 = tpu.vector_load %arg7[%parallel_loop3A_161, %parallel_loop3A_162] {strides = array<i32>} : memref<128x128xf32, #tpu.memory_space<vmem>>, vector<1x16xf32>,
      %parallel_loop3A_164 = vector.shape_cast %parallel_loop3A_163 : vector<1x16xf32> to vector<16xf32>
      %parallel_loop3A_165 = vector.shape_cast %parallel_loop3A_160 : vector<16xf32> to vector<1x16xf32>
      tpu.vector_store %arg7[%parallel_loop3A_161, %parallel_loop3A_162], %parallel_loop3A_165 {strides = array<i32>} : memref<128x128xf32, #tpu.memory_space<vmem>>, vector<1x16xf32>,
      %parallel_loop3A_166 = arith.index_cast %parallel_loop3A_90 : i32 to index
      %parallel_loop3A_167 = arith.constant 80 : index
      %parallel_loop3A_168 = tpu.vector_load %arg7[%parallel_loop3A_166, %parallel_loop3A_167] {strides = array<i32>} : memref<128x128xf32, #tpu.memory_space<vmem>>, vector<1x16xf32>,
      %parallel_loop3A_169 = vector.shape_cast %parallel_loop3A_168 : vector<1x16xf32> to vector<16xf32>
      %parallel_loop3A_170 = arith.index_cast %parallel_loop3A_90 : i32 to index
      %parallel_loop3A_171 = arith.constant 80 : index
      %parallel_loop3A_172 = tpu.vector_load %arg8[%parallel_loop3A_170, %parallel_loop3A_171] {strides = array<i32>} : memref<128x128xf32, #tpu.memory_space<vmem>>, vector<1x16xf32>,
      %parallel_loop3A_173 = vector.shape_cast %parallel_loop3A_172 : vector<1x16xf32> to vector<16xf32>
      %parallel_loop3A_174 = arith.subf %parallel_loop3A_173, %parallel_loop3A_169 : vector<16xf32>
      %parallel_loop3A_175 = arith.addf %parallel_loop3A_169, %parallel_loop3A_174 : vector<16xf32>
      %parallel_loop3A_176 = arith.index_cast %parallel_loop3A_90 : i32 to index
      %parallel_loop3A_177 = arith.constant 80 : index
      %parallel_loop3A_178 = tpu.vector_load %arg7[%parallel_loop3A_176, %parallel_loop3A_177] {strides = array<i32>} : memref<128x128xf32, #tpu.memory_space<vmem>>, vector<1x16xf32>,
      %parallel_loop3A_179 = vector.shape_cast %parallel_loop3A_178 : vector<1x16xf32> to vector<16xf32>
      %parallel_loop3A_180 = vector.shape_cast %parallel_loop3A_175 : vector<16xf32> to vector<1x16xf32>
      tpu.vector_store %arg7[%parallel_loop3A_176, %parallel_loop3A_177], %parallel_loop3A_180 {strides = array<i32>} : memref<128x128xf32, #tpu.memory_space<vmem>>, vector<1x16xf32>,
      %parallel_loop3A_181 = arith.index_cast %parallel_loop3A_90 : i32 to index
      %parallel_loop3A_182 = arith.constant 96 : index
      %parallel_loop3A_183 = tpu.vector_load %arg7[%parallel_loop3A_181, %parallel_loop3A_182] {strides = array<i32>} : memref<128x128xf32, #tpu.memory_space<vmem>>, vector<1x16xf32>,
      %parallel_loop3A_184 = vector.shape_cast %parallel_loop3A_183 : vector<1x16xf32> to vector<16xf32>
      %parallel_loop3A_185 = arith.index_cast %parallel_loop3A_90 : i32 to index
      %parallel_loop3A_186 = arith.constant 96 : index
      %parallel_loop3A_187 = tpu.vector_load %arg8[%parallel_loop3A_185, %parallel_loop3A_186] {strides = array<i32>} : memref<128x128xf32, #tpu.memory_space<vmem>>, vector<1x16xf32>,
      %parallel_loop3A_188 = vector.shape_cast %parallel_loop3A_187 : vector<1x16xf32> to vector<16xf32>
      %parallel_loop3A_189 = arith.subf %parallel_loop3A_188, %parallel_loop3A_184 : vector<16xf32>
      %parallel_loop3A_190 = arith.addf %parallel_loop3A_184, %parallel_loop3A_189 : vector<16xf32>
      %parallel_loop3A_191 = arith.index_cast %parallel_loop3A_90 : i32 to index
      %parallel_loop3A_192 = arith.constant 96 : index
      %parallel_loop3A_193 = tpu.vector_load %arg7[%parallel_loop3A_191, %parallel_loop3A_192] {strides = array<i32>} : memref<128x128xf32, #tpu.memory_space<vmem>>, vector<1x16xf32>,
      %parallel_loop3A_194 = vector.shape_cast %parallel_loop3A_193 : vector<1x16xf32> to vector<16xf32>
      %parallel_loop3A_195 = vector.shape_cast %parallel_loop3A_190 : vector<16xf32> to vector<1x16xf32>
      tpu.vector_store %arg7[%parallel_loop3A_191, %parallel_loop3A_192], %parallel_loop3A_195 {strides = array<i32>} : memref<128x128xf32, #tpu.memory_space<vmem>>, vector<1x16xf32>,
      %parallel_loop3A_196 = arith.index_cast %parallel_loop3A_90 : i32 to index
      %parallel_loop3A_197 = arith.constant 112 : index
      %parallel_loop3A_198 = tpu.vector_load %arg7[%parallel_loop3A_196, %parallel_loop3A_197] {strides = array<i32>} : memref<128x128xf32, #tpu.memory_space<vmem>>, vector<1x16xf32>,
      %parallel_loop3A_199 = vector.shape_cast %parallel_loop3A_198 : vector<1x16xf32> to vector<16xf32>
      %parallel_loop3A_200 = arith.index_cast %parallel_loop3A_90 : i32 to index
      %parallel_loop3A_201 = arith.constant 112 : index
      %parallel_loop3A_202 = tpu.vector_load %arg8[%parallel_loop3A_200, %parallel_loop3A_201] {strides = array<i32>} : memref<128x128xf32, #tpu.memory_space<vmem>>, vector<1x16xf32>,
      %parallel_loop3A_203 = vector.shape_cast %parallel_loop3A_202 : vector<1x16xf32> to vector<16xf32>
      %parallel_loop3A_204 = arith.subf %parallel_loop3A_203, %parallel_loop3A_199 : vector<16xf32>
      %parallel_loop3A_205 = arith.addf %parallel_loop3A_199, %parallel_loop3A_204 : vector<16xf32>
      %parallel_loop3A_206 = arith.index_cast %parallel_loop3A_90 : i32 to index
      %parallel_loop3A_207 = arith.constant 112 : index
      %parallel_loop3A_208 = tpu.vector_load %arg7[%parallel_loop3A_206, %parallel_loop3A_207] {strides = array<i32>} : memref<128x128xf32, #tpu.memory_space<vmem>>, vector<1x16xf32>,
      %parallel_loop3A_209 = vector.shape_cast %parallel_loop3A_208 : vector<1x16xf32> to vector<16xf32>
      %parallel_loop3A_210 = vector.shape_cast %parallel_loop3A_205 : vector<16xf32> to vector<1x16xf32>
      tpu.vector_store %arg7[%parallel_loop3A_206, %parallel_loop3A_207], %parallel_loop3A_210 {strides = array<i32>} : memref<128x128xf32, #tpu.memory_space<vmem>>, vector<1x16xf32>,
    } {sc.loop_unroll_factor = 1 : i64, sc.parallel_access}
    %add3A_35 = arith.constant 0 : i32
    %add3A_36 = arith.addi %mul3A_2, %add3A_35 : i32
    %dma_start3A_37 = arith.constant 0 : i32
    %dma_start3A_38 = arith.constant 0 : i32
    %dma_start3A_39 = tpu.memref_slice %arg7[%dma_start3A_37, %dma_start3A_38] : memref<128x128xf32, #tpu.memory_space<vmem>> -> memref<64x128xf32, #tpu.memory_space<vmem>>
    %dma_start3A_40 = arith.constant 0 : i32
    %dma_start3A_41 = tpu.memref_slice %arg5[%add3A_36, %dma_start3A_40] : memref<4096x128xf32, #tpu.memory_space<hbm>> -> memref<64x128xf32, #tpu.memory_space<hbm>>
    %dma_start3A_42 = arith.constant 0 : i32
    %dma_start3A_43 = tpu.memref_slice %arg5[%add3A_36, %dma_start3A_42] : memref<4096x128xf32, #tpu.memory_space<hbm>> -> memref<64x128xf32, #tpu.memory_space<hbm>>
    %dma_start3A_44 = arith.constant 0 : i32
    %dma_start3A_45 = arith.constant 0 : i32
    %dma_start3A_46 = tpu.memref_slice %arg7[%dma_start3A_44, %dma_start3A_45] : memref<128x128xf32, #tpu.memory_space<vmem>> -> memref<64x128xf32, #tpu.memory_space<vmem>>
    tpu.enqueue_dma source(%dma_start3A_46 : memref<64x128xf32, #tpu.memory_space<vmem>>) target(%dma_start3A_43 : memref<64x128xf32, #tpu.memory_space<hbm>>) target_semaphore(%arg12 : memref<!tpu.dma_semaphore, #tpu.memory_space<semaphore_mem>>)
    %dma_wait3A_47 = arith.constant 64 : i32
    %dma_wait3A_48 = arith.constant 0 : i32
    %dma_wait3A_49 = tpu.memref_slice %arg7[%dma_wait3A_47, %dma_wait3A_48] : memref<128x128xf32, #tpu.memory_space<vmem>> -> memref<64x128xf32, #tpu.memory_space<vmem>>
    %dma_wait3A_50 = arith.constant 64 : i32
    %dma_wait3A_51 = tpu.memref_slice %arg6[%dma_wait3A_50] : memref<128xi32, #tpu.memory_space<vmem>> -> memref<64xi32, #tpu.memory_space<vmem>>
    %dma_wait3A_52 = arith.constant 0 : i32
    %dma_wait3A_53 = arith.constant 0 : i32
    %dma_wait3A_54 = tpu.memref_slice %arg4[%dma_wait3A_52, %dma_wait3A_53] : memref<100000x128xf32, #tpu.memory_space<hbm>> -> memref<100000x128xf32, #tpu.memory_space<hbm>>
    tpu.wait_indirect_dma semaphore(%arg10 : memref<!tpu.dma_semaphore, #tpu.memory_space<semaphore_mem>>) src(%dma_wait3A_54 : memref<100000x128xf32, #tpu.memory_space<hbm>>) dst(%dma_wait3A_49 : memref<64x128xf32, #tpu.memory_space<vmem>>)
    %parallel_loop3A_55 = arith.constant 64 : i32
    %parallel_loop3A_56 = arith.constant 128 : i32
    %parallel_loop3A_57 = arith.constant 1 : i32
    scf.for %parallel_loop3A_90 = %parallel_loop3A_55 to %parallel_loop3A_56 step %parallel_loop3A_57  : i32 {
      %parallel_loop3A_91 = arith.index_cast %parallel_loop3A_90 : i32 to index
      %parallel_loop3A_92 = arith.constant 0 : index
      %parallel_loop3A_93 = tpu.vector_load %arg7[%parallel_loop3A_91, %parallel_loop3A_92] {strides = array<i32>} : memref<128x128xf32, #tpu.memory_space<vmem>>, vector<1x16xf32>,
      %parallel_loop3A_94 = vector.shape_cast %parallel_loop3A_93 : vector<1x16xf32> to vector<16xf32>
      %parallel_loop3A_95 = arith.index_cast %parallel_loop3A_90 : i32 to index
      %parallel_loop3A_96 = arith.constant 0 : index
      %parallel_loop3A_97 = tpu.vector_load %arg8[%parallel_loop3A_95, %parallel_loop3A_96] {strides = array<i32>} : memref<128x128xf32, #tpu.memory_space<vmem>>, vector<1x16xf32>,
      %parallel_loop3A_98 = vector.shape_cast %parallel_loop3A_97 : vector<1x16xf32> to vector<16xf32>
      %parallel_loop3A_99 = arith.subf %parallel_loop3A_98, %parallel_loop3A_94 : vector<16xf32>
      %parallel_loop3A_100 = arith.addf %parallel_loop3A_94, %parallel_loop3A_99 : vector<16xf32>
      %parallel_loop3A_101 = arith.index_cast %parallel_loop3A_90 : i32 to index
      %parallel_loop3A_102 = arith.constant 0 : index
      %parallel_loop3A_103 = tpu.vector_load %arg7[%parallel_loop3A_101, %parallel_loop3A_102] {strides = array<i32>} : memref<128x128xf32, #tpu.memory_space<vmem>>, vector<1x16xf32>,
      %parallel_loop3A_104 = vector.shape_cast %parallel_loop3A_103 : vector<1x16xf32> to vector<16xf32>
      %parallel_loop3A_105 = vector.shape_cast %parallel_loop3A_100 : vector<16xf32> to vector<1x16xf32>
      tpu.vector_store %arg7[%parallel_loop3A_101, %parallel_loop3A_102], %parallel_loop3A_105 {strides = array<i32>} : memref<128x128xf32, #tpu.memory_space<vmem>>, vector<1x16xf32>,
      %parallel_loop3A_106 = arith.index_cast %parallel_loop3A_90 : i32 to index
      %parallel_loop3A_107 = arith.constant 16 : index
      %parallel_loop3A_108 = tpu.vector_load %arg7[%parallel_loop3A_106, %parallel_loop3A_107] {strides = array<i32>} : memref<128x128xf32, #tpu.memory_space<vmem>>, vector<1x16xf32>,
      %parallel_loop3A_109 = vector.shape_cast %parallel_loop3A_108 : vector<1x16xf32> to vector<16xf32>
      %parallel_loop3A_110 = arith.index_cast %parallel_loop3A_90 : i32 to index
      %parallel_loop3A_111 = arith.constant 16 : index
      %parallel_loop3A_112 = tpu.vector_load %arg8[%parallel_loop3A_110, %parallel_loop3A_111] {strides = array<i32>} : memref<128x128xf32, #tpu.memory_space<vmem>>, vector<1x16xf32>,
      %parallel_loop3A_113 = vector.shape_cast %parallel_loop3A_112 : vector<1x16xf32> to vector<16xf32>
      %parallel_loop3A_114 = arith.subf %parallel_loop3A_113, %parallel_loop3A_109 : vector<16xf32>
      %parallel_loop3A_115 = arith.addf %parallel_loop3A_109, %parallel_loop3A_114 : vector<16xf32>
      %parallel_loop3A_116 = arith.index_cast %parallel_loop3A_90 : i32 to index
      %parallel_loop3A_117 = arith.constant 16 : index
      %parallel_loop3A_118 = tpu.vector_load %arg7[%parallel_loop3A_116, %parallel_loop3A_117] {strides = array<i32>} : memref<128x128xf32, #tpu.memory_space<vmem>>, vector<1x16xf32>,
      %parallel_loop3A_119 = vector.shape_cast %parallel_loop3A_118 : vector<1x16xf32> to vector<16xf32>
      %parallel_loop3A_120 = vector.shape_cast %parallel_loop3A_115 : vector<16xf32> to vector<1x16xf32>
      tpu.vector_store %arg7[%parallel_loop3A_116, %parallel_loop3A_117], %parallel_loop3A_120 {strides = array<i32>} : memref<128x128xf32, #tpu.memory_space<vmem>>, vector<1x16xf32>,
      %parallel_loop3A_121 = arith.index_cast %parallel_loop3A_90 : i32 to index
      %parallel_loop3A_122 = arith.constant 32 : index
      %parallel_loop3A_123 = tpu.vector_load %arg7[%parallel_loop3A_121, %parallel_loop3A_122] {strides = array<i32>} : memref<128x128xf32, #tpu.memory_space<vmem>>, vector<1x16xf32>,
      %parallel_loop3A_124 = vector.shape_cast %parallel_loop3A_123 : vector<1x16xf32> to vector<16xf32>
      %parallel_loop3A_125 = arith.index_cast %parallel_loop3A_90 : i32 to index
      %parallel_loop3A_126 = arith.constant 32 : index
      %parallel_loop3A_127 = tpu.vector_load %arg8[%parallel_loop3A_125, %parallel_loop3A_126] {strides = array<i32>} : memref<128x128xf32, #tpu.memory_space<vmem>>, vector<1x16xf32>,
      %parallel_loop3A_128 = vector.shape_cast %parallel_loop3A_127 : vector<1x16xf32> to vector<16xf32>
      %parallel_loop3A_129 = arith.subf %parallel_loop3A_128, %parallel_loop3A_124 : vector<16xf32>
      %parallel_loop3A_130 = arith.addf %parallel_loop3A_124, %parallel_loop3A_129 : vector<16xf32>
      %parallel_loop3A_131 = arith.index_cast %parallel_loop3A_90 : i32 to index
      %parallel_loop3A_132 = arith.constant 32 : index
      %parallel_loop3A_133 = tpu.vector_load %arg7[%parallel_loop3A_131, %parallel_loop3A_132] {strides = array<i32>} : memref<128x128xf32, #tpu.memory_space<vmem>>, vector<1x16xf32>,
      %parallel_loop3A_134 = vector.shape_cast %parallel_loop3A_133 : vector<1x16xf32> to vector<16xf32>
      %parallel_loop3A_135 = vector.shape_cast %parallel_loop3A_130 : vector<16xf32> to vector<1x16xf32>
      tpu.vector_store %arg7[%parallel_loop3A_131, %parallel_loop3A_132], %parallel_loop3A_135 {strides = array<i32>} : memref<128x128xf32, #tpu.memory_space<vmem>>, vector<1x16xf32>,
      %parallel_loop3A_136 = arith.index_cast %parallel_loop3A_90 : i32 to index
      %parallel_loop3A_137 = arith.constant 48 : index
      %parallel_loop3A_138 = tpu.vector_load %arg7[%parallel_loop3A_136, %parallel_loop3A_137] {strides = array<i32>} : memref<128x128xf32, #tpu.memory_space<vmem>>, vector<1x16xf32>,
      %parallel_loop3A_139 = vector.shape_cast %parallel_loop3A_138 : vector<1x16xf32> to vector<16xf32>
      %parallel_loop3A_140 = arith.index_cast %parallel_loop3A_90 : i32 to index
      %parallel_loop3A_141 = arith.constant 48 : index
      %parallel_loop3A_142 = tpu.vector_load %arg8[%parallel_loop3A_140, %parallel_loop3A_141] {strides = array<i32>} : memref<128x128xf32, #tpu.memory_space<vmem>>, vector<1x16xf32>,
      %parallel_loop3A_143 = vector.shape_cast %parallel_loop3A_142 : vector<1x16xf32> to vector<16xf32>
      %parallel_loop3A_144 = arith.subf %parallel_loop3A_143, %parallel_loop3A_139 : vector<16xf32>
      %parallel_loop3A_145 = arith.addf %parallel_loop3A_139, %parallel_loop3A_144 : vector<16xf32>
      %parallel_loop3A_146 = arith.index_cast %parallel_loop3A_90 : i32 to index
      %parallel_loop3A_147 = arith.constant 48 : index
      %parallel_loop3A_148 = tpu.vector_load %arg7[%parallel_loop3A_146, %parallel_loop3A_147] {strides = array<i32>} : memref<128x128xf32, #tpu.memory_space<vmem>>, vector<1x16xf32>,
      %parallel_loop3A_149 = vector.shape_cast %parallel_loop3A_148 : vector<1x16xf32> to vector<16xf32>
      %parallel_loop3A_150 = vector.shape_cast %parallel_loop3A_145 : vector<16xf32> to vector<1x16xf32>
      tpu.vector_store %arg7[%parallel_loop3A_146, %parallel_loop3A_147], %parallel_loop3A_150 {strides = array<i32>} : memref<128x128xf32, #tpu.memory_space<vmem>>, vector<1x16xf32>,
      %parallel_loop3A_151 = arith.index_cast %parallel_loop3A_90 : i32 to index
      %parallel_loop3A_152 = arith.constant 64 : index
      %parallel_loop3A_153 = tpu.vector_load %arg7[%parallel_loop3A_151, %parallel_loop3A_152] {strides = array<i32>} : memref<128x128xf32, #tpu.memory_space<vmem>>, vector<1x16xf32>,
      %parallel_loop3A_154 = vector.shape_cast %parallel_loop3A_153 : vector<1x16xf32> to vector<16xf32>
      %parallel_loop3A_155 = arith.index_cast %parallel_loop3A_90 : i32 to index
      %parallel_loop3A_156 = arith.constant 64 : index
      %parallel_loop3A_157 = tpu.vector_load %arg8[%parallel_loop3A_155, %parallel_loop3A_156] {strides = array<i32>} : memref<128x128xf32, #tpu.memory_space<vmem>>, vector<1x16xf32>,
      %parallel_loop3A_158 = vector.shape_cast %parallel_loop3A_157 : vector<1x16xf32> to vector<16xf32>
      %parallel_loop3A_159 = arith.subf %parallel_loop3A_158, %parallel_loop3A_154 : vector<16xf32>
      %parallel_loop3A_160 = arith.addf %parallel_loop3A_154, %parallel_loop3A_159 : vector<16xf32>
      %parallel_loop3A_161 = arith.index_cast %parallel_loop3A_90 : i32 to index
      %parallel_loop3A_162 = arith.constant 64 : index
      %parallel_loop3A_163 = tpu.vector_load %arg7[%parallel_loop3A_161, %parallel_loop3A_162] {strides = array<i32>} : memref<128x128xf32, #tpu.memory_space<vmem>>, vector<1x16xf32>,
      %parallel_loop3A_164 = vector.shape_cast %parallel_loop3A_163 : vector<1x16xf32> to vector<16xf32>
      %parallel_loop3A_165 = vector.shape_cast %parallel_loop3A_160 : vector<16xf32> to vector<1x16xf32>
      tpu.vector_store %arg7[%parallel_loop3A_161, %parallel_loop3A_162], %parallel_loop3A_165 {strides = array<i32>} : memref<128x128xf32, #tpu.memory_space<vmem>>, vector<1x16xf32>,
      %parallel_loop3A_166 = arith.index_cast %parallel_loop3A_90 : i32 to index
      %parallel_loop3A_167 = arith.constant 80 : index
      %parallel_loop3A_168 = tpu.vector_load %arg7[%parallel_loop3A_166, %parallel_loop3A_167] {strides = array<i32>} : memref<128x128xf32, #tpu.memory_space<vmem>>, vector<1x16xf32>,
      %parallel_loop3A_169 = vector.shape_cast %parallel_loop3A_168 : vector<1x16xf32> to vector<16xf32>
      %parallel_loop3A_170 = arith.index_cast %parallel_loop3A_90 : i32 to index
      %parallel_loop3A_171 = arith.constant 80 : index
      %parallel_loop3A_172 = tpu.vector_load %arg8[%parallel_loop3A_170, %parallel_loop3A_171] {strides = array<i32>} : memref<128x128xf32, #tpu.memory_space<vmem>>, vector<1x16xf32>,
      %parallel_loop3A_173 = vector.shape_cast %parallel_loop3A_172 : vector<1x16xf32> to vector<16xf32>
      %parallel_loop3A_174 = arith.subf %parallel_loop3A_173, %parallel_loop3A_169 : vector<16xf32>
      %parallel_loop3A_175 = arith.addf %parallel_loop3A_169, %parallel_loop3A_174 : vector<16xf32>
      %parallel_loop3A_176 = arith.index_cast %parallel_loop3A_90 : i32 to index
      %parallel_loop3A_177 = arith.constant 80 : index
      %parallel_loop3A_178 = tpu.vector_load %arg7[%parallel_loop3A_176, %parallel_loop3A_177] {strides = array<i32>} : memref<128x128xf32, #tpu.memory_space<vmem>>, vector<1x16xf32>,
      %parallel_loop3A_179 = vector.shape_cast %parallel_loop3A_178 : vector<1x16xf32> to vector<16xf32>
      %parallel_loop3A_180 = vector.shape_cast %parallel_loop3A_175 : vector<16xf32> to vector<1x16xf32>
      tpu.vector_store %arg7[%parallel_loop3A_176, %parallel_loop3A_177], %parallel_loop3A_180 {strides = array<i32>} : memref<128x128xf32, #tpu.memory_space<vmem>>, vector<1x16xf32>,
      %parallel_loop3A_181 = arith.index_cast %parallel_loop3A_90 : i32 to index
      %parallel_loop3A_182 = arith.constant 96 : index
      %parallel_loop3A_183 = tpu.vector_load %arg7[%parallel_loop3A_181, %parallel_loop3A_182] {strides = array<i32>} : memref<128x128xf32, #tpu.memory_space<vmem>>, vector<1x16xf32>,
      %parallel_loop3A_184 = vector.shape_cast %parallel_loop3A_183 : vector<1x16xf32> to vector<16xf32>
      %parallel_loop3A_185 = arith.index_cast %parallel_loop3A_90 : i32 to index
      %parallel_loop3A_186 = arith.constant 96 : index
      %parallel_loop3A_187 = tpu.vector_load %arg8[%parallel_loop3A_185, %parallel_loop3A_186] {strides = array<i32>} : memref<128x128xf32, #tpu.memory_space<vmem>>, vector<1x16xf32>,
      %parallel_loop3A_188 = vector.shape_cast %parallel_loop3A_187 : vector<1x16xf32> to vector<16xf32>
      %parallel_loop3A_189 = arith.subf %parallel_loop3A_188, %parallel_loop3A_184 : vector<16xf32>
      %parallel_loop3A_190 = arith.addf %parallel_loop3A_184, %parallel_loop3A_189 : vector<16xf32>
      %parallel_loop3A_191 = arith.index_cast %parallel_loop3A_90 : i32 to index
      %parallel_loop3A_192 = arith.constant 96 : index
      %parallel_loop3A_193 = tpu.vector_load %arg7[%parallel_loop3A_191, %parallel_loop3A_192] {strides = array<i32>} : memref<128x128xf32, #tpu.memory_space<vmem>>, vector<1x16xf32>,
      %parallel_loop3A_194 = vector.shape_cast %parallel_loop3A_193 : vector<1x16xf32> to vector<16xf32>
      %parallel_loop3A_195 = vector.shape_cast %parallel_loop3A_190 : vector<16xf32> to vector<1x16xf32>
      tpu.vector_store %arg7[%parallel_loop3A_191, %parallel_loop3A_192], %parallel_loop3A_195 {strides = array<i32>} : memref<128x128xf32, #tpu.memory_space<vmem>>, vector<1x16xf32>,
      %parallel_loop3A_196 = arith.index_cast %parallel_loop3A_90 : i32 to index
      %parallel_loop3A_197 = arith.constant 112 : index
      %parallel_loop3A_198 = tpu.vector_load %arg7[%parallel_loop3A_196, %parallel_loop3A_197] {strides = array<i32>} : memref<128x128xf32, #tpu.memory_space<vmem>>, vector<1x16xf32>,
      %parallel_loop3A_199 = vector.shape_cast %parallel_loop3A_198 : vector<1x16xf32> to vector<16xf32>
      %parallel_loop3A_200 = arith.index_cast %parallel_loop3A_90 : i32 to index
      %parallel_loop3A_201 = arith.constant 112 : index
      %parallel_loop3A_202 = tpu.vector_load %arg8[%parallel_loop3A_200, %parallel_loop3A_201] {strides = array<i32>} : memref<128x128xf32, #tpu.memory_space<vmem>>, vector<1x16xf32>,
      %parallel_loop3A_203 = vector.shape_cast %parallel_loop3A_202 : vector<1x16xf32> to vector<16xf32>
      %parallel_loop3A_204 = arith.subf %parallel_loop3A_203, %parallel_loop3A_199 : vector<16xf32>
      %parallel_loop3A_205 = arith.addf %parallel_loop3A_199, %parallel_loop3A_204 : vector<16xf32>
      %parallel_loop3A_206 = arith.index_cast %parallel_loop3A_90 : i32 to index
      %parallel_loop3A_207 = arith.constant 112 : index
      %parallel_loop3A_208 = tpu.vector_load %arg7[%parallel_loop3A_206, %parallel_loop3A_207] {strides = array<i32>} : memref<128x128xf32, #tpu.memory_space<vmem>>, vector<1x16xf32>,
      %parallel_loop3A_209 = vector.shape_cast %parallel_loop3A_208 : vector<1x16xf32> to vector<16xf32>
      %parallel_loop3A_210 = vector.shape_cast %parallel_loop3A_205 : vector<16xf32> to vector<1x16xf32>
      tpu.vector_store %arg7[%parallel_loop3A_206, %parallel_loop3A_207], %parallel_loop3A_210 {strides = array<i32>} : memref<128x128xf32, #tpu.memory_space<vmem>>, vector<1x16xf32>,
    } {sc.loop_unroll_factor = 1 : i64, sc.parallel_access}
    %add3A_58 = arith.constant 64 : i32
    %add3A_59 = arith.addi %mul3A_2, %add3A_58 : i32
    %dma_start3A_60 = arith.constant 64 : i32
    %dma_start3A_61 = arith.constant 0 : i32
    %dma_start3A_62 = tpu.memref_slice %arg7[%dma_start3A_60, %dma_start3A_61] : memref<128x128xf32, #tpu.memory_space<vmem>> -> memref<64x128xf32, #tpu.memory_space<vmem>>
    %dma_start3A_63 = arith.constant 0 : i32
    %dma_start3A_64 = tpu.memref_slice %arg5[%add3A_59, %dma_start3A_63] : memref<4096x128xf32, #tpu.memory_space<hbm>> -> memref<64x128xf32, #tpu.memory_space<hbm>>
    %dma_start3A_65 = arith.constant 0 : i32
    %dma_start3A_66 = tpu.memref_slice %arg5[%add3A_59, %dma_start3A_65] : memref<4096x128xf32, #tpu.memory_space<hbm>> -> memref<64x128xf32, #tpu.memory_space<hbm>>
    %dma_start3A_67 = arith.constant 64 : i32
    %dma_start3A_68 = arith.constant 0 : i32
    %dma_start3A_69 = tpu.memref_slice %arg7[%dma_start3A_67, %dma_start3A_68] : memref<128x128xf32, #tpu.memory_space<vmem>> -> memref<64x128xf32, #tpu.memory_space<vmem>>
    tpu.enqueue_dma source(%dma_start3A_69 : memref<64x128xf32, #tpu.memory_space<vmem>>) target(%dma_start3A_66 : memref<64x128xf32, #tpu.memory_space<hbm>>) target_semaphore(%arg12 : memref<!tpu.dma_semaphore, #tpu.memory_space<semaphore_mem>>)
    %dma_wait3A_70 = arith.constant 0 : i32
    %dma_wait3A_71 = arith.constant 0 : i32
    %dma_wait3A_72 = tpu.memref_slice %arg7[%dma_wait3A_70, %dma_wait3A_71] : memref<128x128xf32, #tpu.memory_space<vmem>> -> memref<64x128xf32, #tpu.memory_space<vmem>>
    %dma_wait3A_73 = arith.constant 0 : i32
    %dma_wait3A_74 = tpu.memref_slice %arg5[%add3A_36, %dma_wait3A_73] : memref<4096x128xf32, #tpu.memory_space<hbm>> -> memref<64x128xf32, #tpu.memory_space<hbm>>
    %dma_wait3A_75 = arith.constant 0 : i32
    %dma_wait3A_76 = tpu.memref_slice %arg5[%add3A_36, %dma_wait3A_75] : memref<4096x128xf32, #tpu.memory_space<hbm>> -> memref<64x128xf32, #tpu.memory_space<hbm>>
    %dma_wait3A_77 = arith.constant 0 : i32
    %dma_wait3A_78 = arith.constant 0 : i32
    %dma_wait3A_79 = tpu.memref_slice %arg7[%dma_wait3A_77, %dma_wait3A_78] : memref<128x128xf32, #tpu.memory_space<vmem>> -> memref<64x128xf32, #tpu.memory_space<vmem>>
    tpu.wait_dma2 semaphore(%arg12 : memref<!tpu.dma_semaphore, #tpu.memory_space<semaphore_mem>>) src(%dma_wait3A_79 : memref<64x128xf32, #tpu.memory_space<vmem>>) dst(%dma_wait3A_76 : memref<64x128xf32, #tpu.memory_space<hbm>>)
    %dma_wait3A_80 = arith.constant 64 : i32
    %dma_wait3A_81 = arith.constant 0 : i32
    %dma_wait3A_82 = tpu.memref_slice %arg7[%dma_wait3A_80, %dma_wait3A_81] : memref<128x128xf32, #tpu.memory_space<vmem>> -> memref<64x128xf32, #tpu.memory_space<vmem>>
    %dma_wait3A_83 = arith.constant 0 : i32
    %dma_wait3A_84 = tpu.memref_slice %arg5[%add3A_59, %dma_wait3A_83] : memref<4096x128xf32, #tpu.memory_space<hbm>> -> memref<64x128xf32, #tpu.memory_space<hbm>>
    %dma_wait3A_85 = arith.constant 0 : i32
    %dma_wait3A_86 = tpu.memref_slice %arg5[%add3A_59, %dma_wait3A_85] : memref<4096x128xf32, #tpu.memory_space<hbm>> -> memref<64x128xf32, #tpu.memory_space<hbm>>
    %dma_wait3A_87 = arith.constant 64 : i32
    %dma_wait3A_88 = arith.constant 0 : i32
    %dma_wait3A_89 = tpu.memref_slice %arg7[%dma_wait3A_87, %dma_wait3A_88] : memref<128x128xf32, #tpu.memory_space<vmem>> -> memref<64x128xf32, #tpu.memory_space<vmem>>
    tpu.wait_dma2 semaphore(%arg12 : memref<!tpu.dma_semaphore, #tpu.memory_space<semaphore_mem>>) src(%dma_wait3A_89 : memref<64x128xf32, #tpu.memory_space<vmem>>) dst(%dma_wait3A_86 : memref<64x128xf32, #tpu.memory_space<hbm>>)
    return
  }
}

</mosaic_0001>

<sc_bundles>
// kernel: kernel.3.cloned.1.call-start
scs
__scs_entry_jumppad:
0x0: {  	(pc) =	sbr.rel $0x88, $3  }
0x1: {  	(tag) =	ssettag $0x0;
	lr =	simm.s32 $0x1  }
0x2: {  	[smem:$0x3F9E] =	sst lr;
	_ =	strace $0xD0000000  }
0x3: {  	_ = 	snop  }
0x4: {  	_ = 	snop  }
0x5: {  	_ = 	snop  }
0x6: {  	_ = 	snop  }
0x7: {  	_ = 	snop  }
__scs_overlays_trampoline_lowered:
0x8: {  	[smem:$0x3FAD] =	sst s0  }
0x9: {  	[smem:$0x3FAE] =	sst s1  }
0xa: {  	[smem:$0x3FAF] =	sst s2  }
0xb: {  	[smem:$0x3FB0] =	sst s3  }
0xc: {  	[smem:$0x3FB1] =	sst s4  }
0xd: {  	[smem:$0x3FB2] =	sst s5  }
0xe: {  	[smem:$0x3FB3] =	sst s6  }
0xf: {  	[smem:$0x3FB4] =	sst s7  }
0x10: {  	[smem:$0x3FB5] =	sst s8  }
0x11: {  	[smem:$0x3FB6] =	sst s9;
	s0 =	simm.s32 @!p0 $0x0  }
0x12: {  	s1 =	sld [smem:$0x3F9C];
	s0 =	simm.s32 @p0 $0x1  }
0x13: {  	[smem:$0x3FB7] =	sst s0;
	s0 =	simm.s32 @!p1 $0x0  }
0x14: {  	s2 =	sld [smem:$0x3F9B];
	s0 =	simm.s32 @p1 $0x1  }
0x15: {  	[smem:$0x3FB8] =	sst s0;
	s0 =	simm.s32 @!p2 $0x0  }
0x16: {  	s3 =	sld [smem:$0x3FDB];
	s0 =	simm.s32 @p2 $0x1  }
0x17: {  	s4 =	simm.s32 $0x1BF5;
	[smem:$0x3FBA] =	sst s0  }
0x18: {  	s0 =	sld [smem:$0x3F9D];
	_ =	swait.ge [sflag:s4], $0x0  }
0x19: {  	s7 =	sld [smem:$0x3F9E]  }
0x1a: {  	s8 =	sadd.s32 $0xFFFFE003, lr  }
0x1b: {  	s9 =	sadd.s32 $0xFFFFFEF7, lr;
	s5 =	simm.s32 $0xFFFFFFFF;
	p2 =	slt.u32 s8, $0xFFFFF086  }
0x1c: {  	p1 =	slt.u32 s9, $0xF7A;
	s5 =	simm.s32 @!p2 $0x0  }
0x1d: {  	s5 =	simm.s32 @p1 $0x1;
	p0 =	seq.s32 s7, s2  }
0x1e: {  	s7 =	smul.u32 @!p0 $0xF7A, s2;
	p2 =	seq.s32 @!p0 s5, $0x0  }
0x1f: {  	s9 =	smul.u32 $0xF7A, s1;
	s8 =	simm.s32 @!p0 $0x1BF5;
	p2 =	por !p2, p0  }
0x20: {  	[sflag:s8] =	ssyncset.s32 @!p0 $0xFFFFF086;
	s6 =	sadd.s32 @!p0 s3, s7;
	s7 =	simm.s32 @!p0 $0x108  }
0x21: {  	s3 =	sadd.s32 s3, s9;
	s6 =	sadd.s32 @!p0 $0x88, s6;
	s7 =	simm.s32 @p2 $0x1082  }
0x22: {  	[simem:s7], [sflag:s8] =	dma.local @!p0 [hbm:s6], $0xF7A  }
0x23: {  	s9 =	sor.u32 $0xD0000000, s2;
	s6 =	simm.s32 $0x108;
	_ =	swait.ge @!p0 [sflag:s8], $0x0  }
0x24: {  	s3 =	sadd.s32 $0x88, s3;
	s6 =	simm.s32 @!p1 $0x1082;
	[sflag:s4] =	ssyncset.s32 $0xFFFFF086  }
0x25: {  	[simem:s6], [sflag:s4] =	dma.local [hbm:s3], $0xF7A  }
0x26: {  	[smem:$0x3F9E] =	sst s1;
	(tag) =	ssettag s2;
	_ =	strace s9  }
0x27: {  	s1 =	sld [smem:$0x3FAE]  }
0x28: {  	s2 =	sld [smem:$0x3FAF]  }
0x29: {  	s4 =	sld [smem:$0x3FB1]  }
0x2a: {  	p0 =	seq.s32 s5, $0x0;
	s5 =	sld [smem:$0x3FB2]  }
0x2b: {  	s6 =	sld [smem:$0x3FB3]  }
0x2c: {  	s7 =	sld [smem:$0x3FB4]  }
0x2d: {  	s3 =	simm.s32 $0x108;
	s8 =	sld [smem:$0x3FB5]  }
0x2e: {  	s3 =	simm.s32 @!p0 $0x1082;
	s9 =	sld [smem:$0x3FB6]  }
0x2f: {  	lr =	sadd.s32 s0, s3;
	s0 =	sld [smem:$0x3FAD]  }
0x30: {  	s3 =	sld [smem:$0x3FB0]  }
0x31: {  	[smem:$0x3FB9] =	sst s10  }
0x32: {  	s10 =	sld [smem:$0x3FB7];
	_ =	sdelay $0x3  }
0x33: {  	p0 =	seq.s32 s10, $0x1;
	s10 =	sld [smem:$0x3FB9];
	_ =	sdelay $0x3  }
0x34: {  	[smem:$0x3FB9] =	sst s10  }
0x35: {  	s10 =	sld [smem:$0x3FB8];
	_ =	sdelay $0x3  }
0x36: {  	p1 =	seq.s32 s10, $0x1;
	s10 =	sld [smem:$0x3FB9];
	_ =	sdelay $0x3  }
0x37: {  	[smem:$0x3FB9] =	sst s10  }
0x38: {  	s10 =	sld [smem:$0x3FBA]  }
0x39: {  	_ = 	snop;
	(pc) =	sbr.ind lr, $3  }
0x3a: {  	_ = 	snop  }
0x3b: {  	_ = 	snop  }
0x3c: {  	p2 =	seq.s32 s10, $0x1;
	s10 =	sld [smem:$0x3FB9]  }
0x3d: {  	_ =	shalt  }
0x3e: {  	_ =	shalt  }
0x3f: {  	_ =	shalt  }
0x40: {  	_ =	shalt  }
0x41: {  	_ =	shalt  }
0x42: {  	_ =	shalt  }
0x43: {  	_ =	shalt  }
0x44: {  	_ =	shalt  }
0x45: {  	_ =	shalt  }
0x46: {  	_ =	shalt  }
0x47: {  	_ =	shalt  }
0x48: {  	_ =	shalt  }
0x49: {  	_ =	shalt  }
0x4a: {  	_ =	shalt  }
0x4b: {  	_ =	shalt  }
0x4c: {  	_ =	shalt  }
0x4d: {  	_ =	shalt  }
0x4e: {  	_ =	shalt  }
0x4f: {  	_ =	shalt  }
0x50: {  	_ =	shalt  }
0x51: {  	_ =	shalt  }
0x52: {  	_ =	shalt  }
0x53: {  	_ =	shalt  }
0x54: {  	_ =	shalt  }
0x55: {  	_ =	shalt  }
0x56: {  	_ =	shalt  }
0x57: {  	_ =	shalt  }
0x58: {  	_ =	shalt  }
0x59: {  	_ =	shalt  }
0x5a: {  	_ =	shalt  }
0x5b: {  	_ =	shalt  }
0x5c: {  	_ =	shalt  }
0x5d: {  	_ =	shalt  }
0x5e: {  	_ =	shalt  }
0x5f: {  	_ =	shalt  }
0x60: {  	_ =	shalt  }
0x61: {  	_ =	shalt  }
0x62: {  	_ =	shalt  }
0x63: {  	_ =	shalt  }
0x64: {  	_ =	shalt  }
0x65: {  	_ =	shalt  }
0x66: {  	_ =	shalt  }
0x67: {  	_ =	shalt  }
0x68: {  	_ =	shalt  }
0x69: {  	_ =	shalt  }
0x6a: {  	_ =	shalt  }
0x6b: {  	_ =	shalt  }
0x6c: {  	_ =	shalt  }
0x6d: {  	_ =	shalt  }
0x6e: {  	_ =	shalt  }
0x6f: {  	_ =	shalt  }
0x70: {  	_ =	shalt  }
0x71: {  	_ =	shalt  }
0x72: {  	_ =	shalt  }
0x73: {  	_ =	shalt  }
0x74: {  	_ =	shalt  }
0x75: {  	_ =	shalt  }
0x76: {  	_ =	shalt  }
0x77: {  	_ =	shalt  }
0x78: {  	_ =	shalt  }
0x79: {  	_ =	shalt  }
0x7a: {  	_ =	shalt  }
0x7b: {  	_ =	shalt  }
0x7c: {  	_ =	shalt  }
0x7d: {  	_ =	shalt  }
0x7e: {  	_ =	shalt  }
0x7f: {  	_ =	shalt  }
0x80: {  	_ =	shalt  }
0x81: {  	_ =	shalt  }
0x82: {  	_ =	shalt  }
0x83: {  	_ =	shalt  }
0x84: {  	_ =	shalt  }
0x85: {  	_ =	shalt  }
0x86: {  	_ =	shalt  }
0x87: {  	_ =	shalt  }
.Lfunc_end0:
.L_simem_size_0:
called_computation_lowered:
.L_overlay_start_0:
0x88: {  	s2 =	sld [smem:$0x3FD9]  }
0x89: {  	s3 =	sld [smem:$0x3FFE];
	_ =	sdelay $0x1  }
0x8a: {  	s1 =	srdreg.scid  }
0x8b: {  	s0 =	sand.u32 $0x1, s1  }
0x8c: {  	s18 =	sshll.u32 s0, $0xA;
	s2 =	sadd.s32 s3, s2  }
0x8d: {  	s2 =	sadd.s32 s2, s18  }
0x8e: {  	[smem:$0x3FC5] =	sst s2  }
0x8f: {  	_ = 	snop  }
0x90: {  	s2 =	sld [smem:$0x3FC9]  }
0x91: {  	s19 =	sld [smem:$0x3FC8]  }
0x92: {  	s4 =	sld [smem:$0x3FC7]  }
0x93: {  	s5 =	sld [smem:$0x3FD0];
	(tm) =	ssettm $0x1  }
0x94: {  	s6 =	sld [smem:$0x3FFB];
	_ =	sdelay $0x3  }
0x95: {  	_ =	strace s6  }
0x96: {  	s6 =	sld [smem:$0x3FFC];
	_ =	sdelay $0x3  }
0x97: {  	_ =	strace s6  }
0x98: {  	s6 =	sld [smem:$0x3FFD];
	_ =	sdelay $0x3  }
0x99: {  	_ =	strace s6  }
0x9a: {  	_ =	strace $0x8FFFFFFF  }
0x9b: {  	s20 =	sld [smem:$0x3FDB];
	_ =	sdelay $0x1  }
0x9c: {  	s7 =	simm.s32 $_scs_section_size  }
0x9d: {  	s8 =	simm.s32 $_size__tile_overlayer_lowered;
	s9 =	simm.s32 $_tile_overlayer_lowered  }
0x9e: {  	s23 =	simm.s32 $0x1BFF;
	s22 =	sshll.u32 s9, $0x1;
	s6 =	sadd.s32 s7, s20  }
0x9f: {  	s10 =	simm.s32 $0x0;
	s21 =	sshll.u32 s8, $0x1;
	s8 =	sadd.s32 s22, s6  }
0xa0: {  	[timem:s10], [sflag:s23] =	dma.local [hbm:s8], s21  }
0xa1: {  	_ =	swait.ge [sflag:s23], s21  }
0xa2: {  	s7 =	ssub.s32 $0x0, s21;
	[sflag:s23] =	ssyncset.done $0x0  }
0xa3: {  	[sflag:s23] =	ssyncadd.s32 s7;
	_ =	sdelay $0x1  }
0xa4: {  	s24 =	simm.s32 $0x1B8B  }
0xa5: {  	_ =	swait.ge [sflag:s24], $0x1  }
0xa6: {  	[sflag:s24] =	ssyncset.done $0x0  }
0xa7: {  	s25 =	simm.s32 $0x1B8E;
	[sflag:s24] =	ssyncadd.s32 $0xFFFFFFFF  }
0xa8: {  	s26 =	simm.s32 $execute0_lowered;
	[smem:$0x3FD2] =	sst s25  }
0xa9: {  	s7 =	sshll.u32 s26, $0x1;
	_ =	strace $0x80000046;
	[dreg:$0x1] =	wrdreg $0xFFFFFFFF  }
0xaa: {  	s28 =	simm.s32 $_size_execute0_lowered;
	s6 =	sadd.s32 s6, s7;
	[dreg:$0x0] =	wrdreg $0x0  }
0xab: {  	s7 =	sshll.u32 s28, $0x1;
	[dreg:$0x2] =	wrdreg s6  }
0xac: {  	[dreg:$0x3] =	wrdreg s7  }
0xad: {  	[dreg:$0x4] =	wrdreg $0xC0  }
0xae: {  	_ =	task [dreg:s10], $0x5FFFF  }
0xaf: {  	[dreg:$0x1] =	wrdreg $0xFFFFFFFF  }
0xb0: {  	[dreg:$0x0] =	wrdreg $0x60  }
0xb1: {  	[dreg:$0x2] =	wrdreg s2  }
0xb2: {  	[dreg:$0x3] =	wrdreg s19  }
0xb3: {  	[dreg:$0x4] =	wrdreg s4  }
0xb4: {  	[dreg:$0x5] =	wrdreg s5  }
0xb5: {  	[dreg:$0x6] =	wrdreg $0x9  }
0xb6: {  	_ =	task.clear_ibuf [dreg:s10], $0x7FFFF;
	_ =	strace $0x90000046  }
0xb7: {  	s29 =	simm.s32 $0x9;
	_ =	strace $0x80000048  }
0xb8: {  	_ =	swait.ge [sflag:s29], $0x1  }
0xb9: {  	[sflag:s29] =	ssyncadd.s32 $0xFFFFFFFF  }
0xba: {  	_ =	strace $0x90000048  }
0xbb: {  	_ =	sfence  }
0xbc: {  	s30 =	sld [smem:$0x0];
	_ =	sdelay $0x2  }
0xbd: {  	s31 =	sshll.u32 s1, $0xD;
	s1 =	sshrl.u32 s1, $0x2  }
0xbe: {  	s3 =	sand.u32 $0x4000, s31;
	s1 =	sadd.s32 s1, s30  }
0xbf: {  	s0 =	sor.u32 s3, s0;
	s1 =	sshll.u32 s1, $0x11  }
0xc0: {  	s0 =	sor.u32 s1, s0  }
0xc1: {  	s0 =	sadd.s32 $0x8F2B, s0  }
0xc2: {  	[sflag:s0] =	ssyncadd.remote.s32 $0x1  }
0xc3: {  	_ =	sfence.sel $0xFFFF  }
0xc4: {  	[dreg:$0x0] =	wrdreg $0xFFFFFFFF;
	(pc) =	sbr.abs _section_cstart, $3  }
0xc5: {  	[dreg:$0x1] =	wrdreg $0xFFFFFFFF  }
0xc6: {  	_ =	task.clear_ibuf [dreg:s10], $0x2FFFF;
	_ =	strace $0x9FFFFFFF  }
0xc7: {  	(tm) =	ssettm $0x7FFFFFFF  }
tec
execute0_lowered:
.L_overlay_start_1:
0x0: {  	(tag) =	ssettag $0x1  }
0x1: {  	s4 =	rddreg [dreg:$0x0]  }
0x2: {  	s5 =	rddreg [dreg:$0x1]  }
0x3: {  	s1 =	rddreg [dreg:$0x2]  }
0x4: {  	s6 =	rddreg [dreg:$0x3]  }
0x5: {  	s0 =	rddreg [dreg:$0x4];
	s3 =	simm.s32 $0x0;
	s7 =	srdreg.scid  }
0x6: {  	s2 =	stileid.u32;
	s11 =	simm.s32 $0x40;
	s12 =	simm.s32 $0x80  }
0x7: {  	s13 =	simm.s32 $0x2080;
	s14 =	simm.s32 $0x3;
	s15 =	simm.s32 $0x1  }
0x8: {  	s16 =	simm.s32 $0x2;
	s17 =	simm.s32 $0x4;
	s7 =	sand.u32 $0x1, s7  }
0x9: {  	s18 =	simm.s32 $0x0;
	[smem:$0x7FF] =	sst s3;
	s8 =	ssub.s32 $0x2, s7  }
0xa: {  	s9 =	sshll.u32 s2, $0x8;
	s7 =	sshll.u32 s7, $0x7;
	s10 =	sshrl.u32 s8, $0x1  }
0xb: {  	_ =	strace $0x80000047;
	s7 =	sor.u32 s7, s9;
	s8 =	ssub.s32 s8, s10  }
0xc: {  	s9 =	sshll.u32 s7, $0x4;
	s7 =	sshrl.u32 s7, $0x3;
	s10 =	simm.s32 $0x5  }
0xd: {  	s4 =	sadd.s32 s4, s9;
	s5 =	sadd.s32 s5, s7;
	s6 =	sadd.s32 s6, s9  }
0xe: {  	s8 =	smax.u32 s8, $0x1;
	s9 =	simm.s32 $0x4080;
	s7 =	sadd.s32 $0x400, s6  }
.LBB2_1:
0xf: {  	[tilespmem:s9], [sflag:$0x3] =	stream.linear.gather [hbm4b:s4+s3], $0x4000, $0x38;
	[tilespmem:$0x8080] =	vst v63  }
0x10: {  	_ = 	snop  }
0x11: {  	[tilespmem:s3], [sflag:$0x5] =	stream.linear.gather [hbm4b:s5+s3], $0x80, $0x38;
	[tilespmem:$0x8080] =	vst v63  }
0x12: {  	_ =	swait.ge [sflag:s10], $0x80  }
0x13: {  	[sflag:s10] =	ssyncset.done $0x0  }
0x14: {  	[sflag:s10] =	ssyncadd.s32 $0xFFFFFF80  }
0x15: {  	[tilespmem:s12], [sflag:$0x1] =	stream.indirect.gather [hbm4b:s1+s11], $0x80, s3, s11, $0xb8;
	[tilespmem:$0x8080] =	vst v63  }
0x16: {  	_ = 	snop  }
0x17: {  	[tilespmem:s13], [sflag:$0x2] =	stream.indirect.gather [hbm4b:s1+s11], $0x80, s11, s11, $0xb8;
	[tilespmem:$0x8080] =	vst v63  }
0x18: {  	_ =	swait.ge [sflag:s14], $0x4000  }
0x19: {  	[sflag:s14] =	ssyncset.done $0x0  }
0x1a: {  	[sflag:s14] =	ssyncadd.s32 $0xFFFFC000  }
0x1b: {  	_ =	swait.ge [sflag:s15], $0x2000  }
0x1c: {  	[sflag:s15] =	ssyncset.done $0x0  }
0x1d: {  	s19 =	simm.s32 $0x0;
	[sflag:s15] =	ssyncadd.s32 $0xFFFFE000  }
0x1e: {  	v0 =	vld [tilespmem:s19+$0xF0]  }
0x1f: {  	v1 =	vld [tilespmem:s19+$0x40F0]  }
0x20: {  	v2 =	vld [tilespmem:s19+$0x80]  }
0x21: {  	v3 =	vld [tilespmem:s19+$0x4080]  }
0x22: {  	v4 =	vld [tilespmem:s19+$0x90]  }
0x23: {  	v5 =	vld [tilespmem:s19+$0x4090]  }
0x24: {  	v6 =	vld [tilespmem:s19+$0xA0];
	v1 =	vsub.f32 v1, v0  }
0x25: {  	v7 =	vld [tilespmem:s19+$0x40A0]  }
0x26: {  	v8 =	vld [tilespmem:s19+$0xB0];
	v3 =	vsub.f32 v3, v2;
	v1 =	vadd.f32 v1, v0  }
0x27: {  	v9 =	vld [tilespmem:s19+$0x40B0]  }
0x28: {  	v10 =	vld [tilespmem:s19+$0x40C0];
	v2 =	vadd.f32 v3, v2;
	[tilespmem:s19+$0xF0] =	vst v1;
	v1 =	vsub.f32 v5, v4  }
0x29: {  	v0 =	vld [tilespmem:s19+$0xC0]  }
0x2a: {  	v3 =	vld [tilespmem:s19+$0x40D0];
	[tilespmem:s19+$0x80] =	vst v2;
	v2 =	vadd.f32 v1, v4;
	v4 =	vsub.f32 v7, v6  }
0x2b: {  	v1 =	vld [tilespmem:s19+$0xD0]  }
0x2c: {  	v7 =	vsub.f32 v9, v8;
	[tilespmem:s19+$0x90] =	vst v2;
	v6 =	vadd.f32 v4, v6;
	v2 =	vld [tilespmem:s19+$0xE0]  }
0x2d: {  	s20 =	simm.s32 $0x80;
	v4 =	vld [tilespmem:s19+$0x40E0]  }
0x2e: {  	s21 =	simm.s32 $0x400;
	v5 =	vld [tilespmem:s20+$0xF0];
	[tilespmem:s19+$0xA0] =	vst v6;
	v6 =	vadd.f32 v7, v8;
	v7 =	vsub.f32 v10, v0  }
.LBB2_2:
0x2f: {  	p0 =	sne.s32 s21, $0x7E00;
	v8 =	vld [tilespmem:s20+$0x40F0]  }
0x30: {  	v9 =	vld [tilespmem:s20+$0x80];
	[tilespmem:s19+$0xB0] =	vst v6;
	v0 =	vadd.f32 v7, v0;
	v3 =	vsub.f32 v3, v1  }
0x31: {  	v6 =	vld [tilespmem:s20+$0x4080]  }
0x32: {  	v7 =	vld [tilespmem:s20+$0x90];
	[tilespmem:s19+$0xC0] =	vst v0;
	v0 =	vadd.f32 v3, v1;
	v1 =	vsub.f32 v4, v2  }
0x33: {  	v3 =	vld [tilespmem:s20+$0x4090]  }
0x34: {  	v4 =	vld [tilespmem:s20+$0xA0];
	v8 =	vsub.f32 v8, v5;
	[tilespmem:s19+$0xD0] =	vst v0;
	v0 =	vadd.f32 v1, v2  }
0x35: {  	v1 =	vld [tilespmem:s20+$0x40A0]  }
0x36: {  	v2 =	vsub.f32 v6, v9;
	v6 =	vld [tilespmem:s20+$0xB0];
	v5 =	vadd.f32 v8, v5;
	[tilespmem:s19+$0xE0] =	vst v0;
	s19 =	smov.u32 s20  }
0x37: {  	v8 =	vld [tilespmem:s19+$0x40B0]  }
0x38: {  	v2 =	vadd.f32 v2, v9;
	v3 =	vsub.f32 v3, v7;
	v0 =	vld [tilespmem:s19+$0xC0];
	[tilespmem:s19+$0xF0] =	vst v5  }
0x39: {  	v9 =	vld [tilespmem:s19+$0x40C0]  }
.Ltmp0:
0x3a: {  	[tilespmem:s19+$0x80] =	vst v2;
	v2 =	vadd.f32 v3, v7;
	v5 =	vsub.f32 v1, v4;
	v1 =	vld [tilespmem:s19+$0xD0];
	(pc) =	sbr.rel @p0 .LBB2_2-.Ltmp0, $4  }
0x3b: {  	v3 =	vld [tilespmem:s19+$0x40D0]  }
0x3c: {  	[tilespmem:s19+$0x90] =	vst v2;
	v7 =	vadd.f32 v5, v4;
	v8 =	vsub.f32 v8, v6;
	v2 =	vld [tilespmem:s19+$0xE0]  }
0x3d: {  	s20 =	sshra.s32 s21, $0x2;
	v4 =	vld [tilespmem:s19+$0x40E0]  }
0x3e: {  	s21 =	sadd.s32 $0x200, s21;
	v5 =	vld [tilespmem:s20+$0xF0];
	[tilespmem:s19+$0xA0] =	vst v7;
	v6 =	vadd.f32 v8, v6;
	v7 =	vsub.f32 v9, v0  }
0x3f: {  	v8 =	vld [tilespmem:s20+$0x40F0]  }
0x40: {  	v9 =	vld [tilespmem:s20+$0x80]  }
0x41: {  	v10 =	vld [tilespmem:s20+$0x4080]  }
0x42: {  	v11 =	vld [tilespmem:s20+$0x90]  }
0x43: {  	v12 =	vld [tilespmem:s20+$0x4090]  }
0x44: {  	v13 =	vld [tilespmem:s20+$0xA0]  }
0x45: {  	v14 =	vld [tilespmem:s20+$0x40A0];
	v8 =	vsub.f32 v8, v5  }
0x46: {  	v15 =	vld [tilespmem:s20+$0xB0]  }
0x47: {  	v16 =	vld [tilespmem:s20+$0xC0];
	v5 =	vadd.f32 v8, v5  }
0x48: {  	v59 =	vld [tilespmem:s20+$0x40C0]  }
0x49: {  	v60 =	vld [tilespmem:s20+$0xD0];
	[tilespmem:s20+$0xF0] =	vst v5;
	v5 =	vsub.f32 v12, v11  }
0x4a: {  	v8 =	vld [tilespmem:s20+$0x40B0]  }
0x4b: {  	v61 =	vld [tilespmem:s20+$0x40D0];
	v3 =	vsub.f32 v3, v1;
	v5 =	vadd.f32 v5, v11  }
0x4c: {  	v0 =	vadd.f32 v7, v0;
	v7 =	vld [tilespmem:s20+$0x40E0];
	[tilespmem:s19+$0xB0] =	vst v6;
	v4 =	vsub.f32 v4, v2  }
0x4d: {  	v1 =	vadd.f32 v3, v1;
	v10 =	vsub.f32 v10, v9;
	[tilespmem:s20+$0x90] =	vst v5;
	v5 =	vld [tilespmem:s20+$0xE0]  }
0x4e: {  	[tilespmem:s19+$0xC0] =	vst v0;
	v3 =	vsub.f32 v14, v13;
	v0 =	vadd.f32 v4, v2  }
0x4f: {  	[tilespmem:s19+$0xD0] =	vst v1;
	v9 =	vadd.f32 v10, v9;
	v2 =	vsub.f32 v8, v15  }
0x50: {  	v1 =	vadd.f32 v3, v13;
	v3 =	vsub.f32 v59, v16;
	[tilespmem:s19+$0xE0] =	vst v0  }
0x51: {  	[tilespmem:s20+$0x80] =	vst v9;
	v0 =	vadd.f32 v2, v15;
	v2 =	vsub.f32 v61, v60  }
0x52: {  	[tilespmem:s20+$0xA0] =	vst v1;
	v1 =	vadd.f32 v3, v16;
	v3 =	vsub.f32 v7, v5  }
0x53: {  	[tilespmem:s20+$0xB0] =	vst v0;
	v0 =	vadd.f32 v2, v60  }
0x54: {  	[tilespmem:s20+$0xC0] =	vst v1;
	v1 =	vadd.f32 v3, v5  }
0x55: {  	[tilespmem:s20+$0xD0] =	vst v0  }
0x56: {  	s31 =	simm.s32 $0x0;
	[tilespmem:s20+$0xE0] =	vst v1  }
0x57: {  	[hbm4b:s6+s31] =	stream.linear.scatter [tilespmem:s12], [sflag:$0x4], $0x2000, $0x38;
	[tilespmem:$0x8080] =	vst v63  }
0x58: {  	_ =	swait.ge [sflag:s16], $0x2000  }
0x59: {  	[sflag:s16] =	ssyncset.done $0x0  }
0x5a: {  	s19 =	simm.s32 $0x0;
	[sflag:s16] =	ssyncadd.s32 $0xFFFFE000  }
0x5b: {  	v0 =	vld [tilespmem:s19+$0x20F0]  }
0x5c: {  	v1 =	vld [tilespmem:s19+$0x60F0]  }
0x5d: {  	v2 =	vld [tilespmem:s19+$0x2080]  }
0x5e: {  	v3 =	vld [tilespmem:s19+$0x6080]  }
0x5f: {  	v4 =	vld [tilespmem:s19+$0x2090]  }
0x60: {  	v5 =	vld [tilespmem:s19+$0x6090]  }
0x61: {  	v6 =	vld [tilespmem:s19+$0x20A0];
	v1 =	vsub.f32 v1, v0  }
0x62: {  	v7 =	vld [tilespmem:s19+$0x60A0]  }
0x63: {  	v8 =	vld [tilespmem:s19+$0x20B0];
	v3 =	vsub.f32 v3, v2;
	v1 =	vadd.f32 v1, v0  }
0x64: {  	v62 =	vld [tilespmem:s19+$0x60B0]  }
0x65: {  	v63 =	vld [tilespmem:s19+$0x60C0];
	v2 =	vadd.f32 v3, v2;
	[tilespmem:s19+$0x20F0] =	vst v1;
	v1 =	vsub.f32 v5, v4  }
0x66: {  	v0 =	vld [tilespmem:s19+$0x20C0]  }
0x67: {  	v3 =	vld [tilespmem:s19+$0x60D0];
	[tilespmem:s19+$0x2080] =	vst v2;
	v2 =	vadd.f32 v1, v4;
	v4 =	vsub.f32 v7, v6  }
0x68: {  	v1 =	vld [tilespmem:s19+$0x20D0]  }
0x69: {  	v7 =	vsub.f32 v62, v8;
	[tilespmem:s19+$0x2090] =	vst v2;
	v6 =	vadd.f32 v4, v6;
	v2 =	vld [tilespmem:s19+$0x20E0]  }
0x6a: {  	s20 =	simm.s32 $0x80;
	v4 =	vld [tilespmem:s19+$0x60E0]  }
0x6b: {  	s21 =	simm.s32 $0x400;
	v5 =	vld [tilespmem:s20+$0x20F0];
	[tilespmem:s19+$0x20A0] =	vst v6;
	v6 =	vadd.f32 v7, v8;
	v7 =	vsub.f32 v63, v0  }
.LBB2_4:
0x6c: {  	p0 =	sne.s32 s21, $0x7E00;
	v8 =	vld [tilespmem:s20+$0x60F0]  }
0x6d: {  	v9 =	vld [tilespmem:s20+$0x2080];
	[tilespmem:s19+$0x20B0] =	vst v6;
	v0 =	vadd.f32 v7, v0;
	v3 =	vsub.f32 v3, v1  }
0x6e: {  	v6 =	vld [tilespmem:s20+$0x6080]  }
0x6f: {  	v7 =	vld [tilespmem:s20+$0x2090];
	[tilespmem:s19+$0x20C0] =	vst v0;
	v0 =	vadd.f32 v3, v1;
	v1 =	vsub.f32 v4, v2  }
0x70: {  	v3 =	vld [tilespmem:s20+$0x6090]  }
0x71: {  	v4 =	vld [tilespmem:s20+$0x20A0];
	v8 =	vsub.f32 v8, v5;
	[tilespmem:s19+$0x20D0] =	vst v0;
	v0 =	vadd.f32 v1, v2  }
0x72: {  	v1 =	vld [tilespmem:s20+$0x60A0]  }
0x73: {  	v2 =	vsub.f32 v6, v9;
	v6 =	vld [tilespmem:s20+$0x20B0];
	v5 =	vadd.f32 v8, v5;
	[tilespmem:s19+$0x20E0] =	vst v0;
	s19 =	smov.u32 s20  }
0x74: {  	v8 =	vld [tilespmem:s19+$0x60B0]  }
0x75: {  	v2 =	vadd.f32 v2, v9;
	v3 =	vsub.f32 v3, v7;
	v0 =	vld [tilespmem:s19+$0x20C0];
	[tilespmem:s19+$0x20F0] =	vst v5  }
0x76: {  	v9 =	vld [tilespmem:s19+$0x60C0]  }
.Ltmp1:
0x77: {  	[tilespmem:s19+$0x2080] =	vst v2;
	v2 =	vadd.f32 v3, v7;
	v5 =	vsub.f32 v1, v4;
	v1 =	vld [tilespmem:s19+$0x20D0];
	(pc) =	sbr.rel @p0 .LBB2_4-.Ltmp1, $4  }
0x78: {  	v3 =	vld [tilespmem:s19+$0x60D0]  }
0x79: {  	[tilespmem:s19+$0x2090] =	vst v2;
	v7 =	vadd.f32 v5, v4;
	v8 =	vsub.f32 v8, v6;
	v2 =	vld [tilespmem:s19+$0x20E0]  }
0x7a: {  	s20 =	sshra.s32 s21, $0x2;
	v4 =	vld [tilespmem:s19+$0x60E0]  }
0x7b: {  	s21 =	sadd.s32 $0x200, s21;
	v5 =	vld [tilespmem:s20+$0x20F0];
	[tilespmem:s19+$0x20A0] =	vst v7;
	v6 =	vadd.f32 v8, v6;
	v7 =	vsub.f32 v9, v0  }
0x7c: {  	v8 =	vld [tilespmem:s20+$0x60F0]  }
0x7d: {  	v9 =	vld [tilespmem:s20+$0x2080]  }
0x7e: {  	v10 =	vld [tilespmem:s20+$0x6080]  }
0x7f: {  	v11 =	vld [tilespmem:s20+$0x2090]  }
0x80: {  	v13 =	vld [tilespmem:s20+$0x20A0]  }
0x81: {  	v14 =	vld [tilespmem:s20+$0x60A0]  }
0x82: {  	v15 =	vld [tilespmem:s20+$0x20B0]  }
0x83: {  	v46 =	vld [tilespmem:s20+$0x60B0]  }
0x84: {  	v16 =	vld [tilespmem:s20+$0x20C0]  }
0x85: {  	v48 =	vld [tilespmem:s20+$0x60C0]  }
0x86: {  	v49 =	vld [tilespmem:s20+$0x20D0];
	v3 =	vsub.f32 v3, v1  }
0x87: {  	v50 =	vld [tilespmem:s20+$0x60D0];
	v0 =	vadd.f32 v7, v0;
	v4 =	vsub.f32 v4, v2  }
0x88: {  	v51 =	vld [tilespmem:s20+$0x20E0];
	[tilespmem:s19+$0x20B0] =	vst v6;
	v1 =	vadd.f32 v3, v1;
	v8 =	vsub.f32 v8, v5  }
0x89: {  	v52 =	vld [tilespmem:s20+$0x60E0];
	[tilespmem:s19+$0x20C0] =	vst v0;
	v10 =	vsub.f32 v10, v9;
	v54 =	vadd.f32 v4, v2  }
0x8a: {  	v12 =	vld [tilespmem:s20+$0x6090];
	v53 =	vsub.f32 v14, v13;
	[tilespmem:s19+$0x20D0] =	vst v1;
	v5 =	vadd.f32 v8, v5  }
0x8b: {  	v55 =	vsub.f32 v46, v15;
	v9 =	vadd.f32 v10, v9;
	[tilespmem:s19+$0x20E0] =	vst v54  }
0x8c: {  	v57 =	vsub.f32 v48, v16;
	v56 =	vadd.f32 v53, v13;
	[tilespmem:s20+$0x20F0] =	vst v5  }
0x8d: {  	v59 =	vsub.f32 v50, v49;
	v58 =	vadd.f32 v55, v15;
	[tilespmem:s20+$0x2080] =	vst v9  }
0x8e: {  	v61 =	vsub.f32 v52, v51;
	v60 =	vadd.f32 v57, v16;
	[tilespmem:s20+$0x20A0] =	vst v56  }
0x8f: {  	v47 =	vsub.f32 v12, v11;
	v62 =	vadd.f32 v59, v49;
	[tilespmem:s20+$0x20B0] =	vst v58  }
0x90: {  	v63 =	vadd.f32 v61, v51;
	[tilespmem:s20+$0x20C0] =	vst v60  }
0x91: {  	v5 =	vadd.f32 v47, v11;
	[tilespmem:s20+$0x20D0] =	vst v62  }
0x92: {  	[tilespmem:s20+$0x20E0] =	vst v63  }
0x93: {  	s18 =	sadd.s32 $0x1, s18;
	[tilespmem:s20+$0x2090] =	vst v5  }
0x94: {  	[hbm4b:s7+s3] =	stream.linear.scatter [tilespmem:s13], [sflag:$0x4], $0x2000, $0x38;
	[tilespmem:$0x8080] =	vst v63  }
0x95: {  	p0 =	sne.s32 s18, s8;
	_ =	swait.ge [sflag:s17], $0x2000  }
.Ltmp2:
0x96: {  	[sflag:s17] =	ssyncset.done $0x0;
	(pc) =	sbr.rel @p0 .LBB2_1-.Ltmp2, $4  }
0x97: {  	[sflag:s17] =	ssyncadd.s32 $0xFFFFE000  }
0x98: {  	_ =	swait.ge [sflag:s17], $0x2000  }
0x99: {  	[sflag:s17] =	ssyncset.done $0x0  }
0x9a: {  	[sflag:s17] =	ssyncadd.s32 $0xFFFFE000  }
0x9b: {  	_ =	sfence.sel $0x180000  }
0x9c: {  	[bflag:$0x0] =	sbarrier.arrive $0xFFFF  }
0x9d: {  	p0 =	sne.s32 s2, $0x0;
	_ =	strace $0x90000047  }
0x9e: {  	s0 =	sadd.s32 @!p0 $0x100000, s0;
	[bflag:$0x2] =	sbarrier.arrive $0xFFFF  }
0x9f: {  	[sflag:s0] =	ssyncadd.tile.s32 @!p0 $0x1;
	_ =	shalt  }
.Lfunc_end2:
_tile_overlayer_lowered:
.L_overlay_start_2:
0xa0: {  	(tag) =	ssettag $0x2  }
0xa1: {  	s0 =	rddreg [dreg:$0x0];
	s2 =	stileid.u32  }
0xa2: {  	s1 =	rddreg [dreg:$0x1];
	p0 =	sne.s32 s2, $0x0  }
0xa3: {  	s3 =	rddreg [dreg:$0x2];
	[bflag:$0x3] =	sbarrier.arrive $0xFFFF;
	s2 =	simm.s32 @!p0 $0x1C05  }
0xa4: {  	[timem:s3], [sflag:s2] =	dma.local @!p0 [hbm:s0], s1  }
0xa5: {  	s0 =	simm.s32 @!p0 $0x5  }
0xa6: {  	_ =	swait.ge @!p0 [sflag:s0], s1  }
0xa7: {  	s1 =	ssub.s32 @!p0 $0x0, s1;
	[sflag:s0] =	ssyncset.done @!p0 $0x0  }
0xa8: {  	[sflag:s0] =	ssyncadd.s32 @!p0 s1  }
0xa9: {  	[bflag:$0x3] =	sbarrier.arrive $0xFFFF  }
0xaa: {  	_ =	shalt  }

</sc_bundles>
